<compile_context>
chip_gen: v7x
topology: tpu7x:2x2x1
jax: 0.10.2.dev20260603
libtpu: 0.0.44.dev20260713+nightly
codegen_flags: <defaults>
</compile_context>

<pallas_src>
import functools

import jax
import jax.numpy as jnp
from jax import lax
from jax.experimental import pallas as pl
from jax.experimental.pallas import tpu as pltpu
from jax.experimental.pallas import tpu_sc as plsc

B = 16384
D = 32
NC = 2
NS = 16
L = 16
NW = NC * NS
BPW = B // NW
CHUNK = 128
KCH = BPW // CHUNK
G = BPW // L

_mesh = plsc.VectorSubcoreMesh(
    core_axis_name="c", subcore_axis_name="s", num_cores=NC, num_subcores=NS
)


@functools.partial(
    pl.kernel,
    out_type=jax.ShapeDtypeStruct((B,), jnp.float32),
    mesh=_mesh,
    scratch_types=[
        pltpu.VMEM((KCH, CHUNK), jnp.int32),
        pltpu.VMEM((KCH, CHUNK), jnp.int32),
        pltpu.VMEM((BPW, D), jnp.float32),
        pltpu.VMEM((BPW, D), jnp.float32),
        pltpu.VMEM((BPW * L,), jnp.float32),
        pltpu.VMEM((BPW,), jnp.float32),
        pltpu.SemaphoreType.DMA,
        pltpu.SemaphoreType.DMA,
    ],
    compiler_params=pltpu.CompilerParams(
        needs_layout_passes=False, use_tc_tiling_on_sc=False
    ),
)
def _mf_sc(user_hbm, item_hbm, utab_hbm, itab_hbm, out_hbm,
           uidx_v, iidx_v, urows_v, irows_v, psum_v, out_v, sem_u, sem_i):
    wid = lax.axis_index("s") * NC + lax.axis_index("c")
    base = wid * BPW

    pltpu.sync_copy(user_hbm.at[wid], uidx_v)
    pltpu.sync_copy(item_hbm.at[wid], iidx_v)

    copies = []
    for k in range(KCH):
        dst = pl.ds(k * CHUNK, CHUNK)
        copies.append(
            pltpu.async_copy(utab_hbm.at[uidx_v.at[k]], urows_v.at[dst], sem_u)
        )
        copies.append(
            pltpu.async_copy(itab_hbm.at[iidx_v.at[k]], irows_v.at[dst], sem_i)
        )
    for cp in copies:
        cp.wait()

    def prow(b, carry):
        u0 = urows_v[b, pl.ds(0, L)]
        u1 = urows_v[b, pl.ds(L, L)]
        v0 = irows_v[b, pl.ds(0, L)]
        v1 = irows_v[b, pl.ds(L, L)]
        psum_v[pl.ds(b * L, L)] = u0 * v0 + u1 * v1
        return carry

    lax.fori_loop(0, BPW, prow, 0)

    lane = lax.iota(jnp.int32, L)

    def group(g, carry):
        rowbase = (g * L + lane) * L
        acc = plsc.load_gather(psum_v, [rowbase])
        for l in range(1, L):
            acc = acc + plsc.load_gather(psum_v, [rowbase + l])
        out_v[pl.ds(g * L, L)] = acc
        return carry

    lax.fori_loop(0, G, group, 0)

    pltpu.sync_copy(out_v, out_hbm.at[pl.ds(base, BPW)])


def kernel(user, item, user_table, item_table):
    user_r = user.astype(jnp.int32).reshape(NW, KCH, CHUNK)
    item_r = item.astype(jnp.int32).reshape(NW, KCH, CHUNK)
    return _mf_sc(user_r, item_r, user_table, item_table)

# --- scband reference (transcript-rebuilt; emitter-appended) ---
"""Pipeline reference for scband-mf-36756330119717 (READ-ONLY COPY).

The authoritative reference and input builder live on the scoring server;
editing this copy changes nothing except your own understanding.
"""

import jax, jax.numpy as jnp
import numpy as np

NUM_USERS = 1000000
NUM_ITEMS = 100000
LATENT = 32
BATCH = 16384

def setup_inputs(seed: int = 0) -> dict:
    key = jax.random.key(seed)
    k1, k2, k3, k4 = jax.random.split(key, 4)
    user = jax.random.randint(k1, (BATCH,), 0, NUM_USERS, dtype=jnp.int64 if jax.config.jax_enable_x64 else jnp.int32)
    item = jax.random.randint(k2, (BATCH,), 0, NUM_ITEMS, dtype=jnp.int64 if jax.config.jax_enable_x64 else jnp.int32)
    user_table = jax.random.normal(k3, (NUM_USERS, LATENT), dtype=jnp.float32)
    item_table = jax.random.normal(k4, (NUM_ITEMS, LATENT), dtype=jnp.float32)
    return {"user": user, "item": item, "user_table": user_table, "item_table": item_table}

def reference(user, item, user_table, item_table):
    # MF forward: (E_u[user] * E_i[item]).sum(dim=1), use_bias=False
    u = jnp.take(user_table, user, axis=0)   # [B, D] gather
    v = jnp.take(item_table, item, axis=0)   # [B, D] gather
    out = (u * v).sum(axis=1)                # [B]
    return out

if __name__ == "__main__":
    import jax
    _d = setup_inputs()
    print(jax.jit(kernel)(*tuple(_d.values())))

</pallas_src>

<mosaic_0001>
#map = affine_map<(d0, d1) -> (0, 0, 0)>
#map1 = affine_map<(d0, d1) -> (0, 0)>
#map2 = affine_map<(d0, d1) -> (0)>
module attributes {stable_mosaic.version = 14 : i64} {
  func.func @_mf_sc(%arg0: i32, %arg1: i32, %arg2: memref<32x4x128xi32, #tpu.memory_space<hbm>>, %arg3: memref<32x4x128xi32, #tpu.memory_space<hbm>>, %arg4: memref<1000000x32xf32, #tpu.memory_space<hbm>>, %arg5: memref<100000x32xf32, #tpu.memory_space<hbm>>, %arg6: memref<16384xf32, #tpu.memory_space<hbm>>, %arg7: memref<4x128xi32, #tpu.memory_space<vmem>>, %arg8: memref<4x128xi32, #tpu.memory_space<vmem>>, %arg9: memref<512x32xf32, #tpu.memory_space<vmem>>, %arg10: memref<512x32xf32, #tpu.memory_space<vmem>>, %arg11: memref<8192xf32, #tpu.memory_space<vmem>>, %arg12: memref<512xf32, #tpu.memory_space<vmem>>, %arg13: memref<!tpu.dma_semaphore, #tpu.memory_space<semaphore_mem>>, %arg14: memref<!tpu.dma_semaphore, #tpu.memory_space<semaphore_mem>>) attributes {dimension_semantics = [#tpu.dimension_semantics<core_parallel>, #tpu.dimension_semantics<subcore_parallel>], iteration_bounds = array<i64: 2, 16>, scalar_prefetch = 0 : i64, scratch_operands = 8 : i64, tpu.core_type = #tpu.core_type<sc_vector_subcore>, window_params = [{transform_indices = #map}, {transform_indices = #map}, {transform_indices = #map1}, {transform_indices = #map1}, {transform_indices = #map2}]} {
    %mul3A = arith.constant 2 : i32
    %mul3A_0 = arith.muli %arg1, %mul3A : i32
    %add3A = arith.addi %mul3A_0, %arg0 : i32
    %mul3A_1 = arith.constant 512 : i32
    %mul3A_2 = arith.muli %add3A, %mul3A_1 : i32
    "tpu.region"() ({
      %run_scoped3A = tpu.sem_alloc : memref<!tpu.dma_semaphore, #tpu.memory_space<semaphore_mem>>
      %dma_start3A_172 = arith.constant 0 : i32
      %dma_start3A_173 = arith.constant 0 : i32
      %dma_start3A_174 = tpu.memref_slice %arg2[%add3A, %dma_start3A_172, %dma_start3A_173] : memref<32x4x128xi32, #tpu.memory_space<hbm>> -> memref<1x4x128xi32, #tpu.memory_space<hbm>>
      %dma_start3A_175 = tpu.memref_squeeze %dma_start3A_174 : memref<1x4x128xi32, #tpu.memory_space<hbm>> -> memref<4x128xi32, #tpu.memory_space<hbm>>
      %dma_start3A_176 = arith.constant 0 : i32
      %dma_start3A_177 = arith.constant 0 : i32
      %dma_start3A_178 = tpu.memref_slice %arg2[%add3A, %dma_start3A_176, %dma_start3A_177] : memref<32x4x128xi32, #tpu.memory_space<hbm>> -> memref<1x4x128xi32, #tpu.memory_space<hbm>>
      %dma_start3A_179 = tpu.memref_squeeze %dma_start3A_178 : memref<1x4x128xi32, #tpu.memory_space<hbm>> -> memref<4x128xi32, #tpu.memory_space<hbm>>
      tpu.enqueue_dma source(%dma_start3A_179 : memref<4x128xi32, #tpu.memory_space<hbm>>) target(%arg7 : memref<4x128xi32, #tpu.memory_space<vmem>>) target_semaphore(%run_scoped3A : memref<!tpu.dma_semaphore, #tpu.memory_space<semaphore_mem>>)
      %dma_wait3A_180 = arith.constant 0 : i32
      %dma_wait3A_181 = arith.constant 0 : i32
      %dma_wait3A_182 = tpu.memref_slice %arg2[%add3A, %dma_wait3A_180, %dma_wait3A_181] : memref<32x4x128xi32, #tpu.memory_space<hbm>> -> memref<1x4x128xi32, #tpu.memory_space<hbm>>
      %dma_wait3A_183 = tpu.memref_squeeze %dma_wait3A_182 : memref<1x4x128xi32, #tpu.memory_space<hbm>> -> memref<4x128xi32, #tpu.memory_space<hbm>>
      %dma_wait3A_184 = arith.constant 0 : i32
      %dma_wait3A_185 = arith.constant 0 : i32
      %dma_wait3A_186 = tpu.memref_slice %arg2[%add3A, %dma_wait3A_184, %dma_wait3A_185] : memref<32x4x128xi32, #tpu.memory_space<hbm>> -> memref<1x4x128xi32, #tpu.memory_space<hbm>>
      %dma_wait3A_187 = tpu.memref_squeeze %dma_wait3A_186 : memref<1x4x128xi32, #tpu.memory_space<hbm>> -> memref<4x128xi32, #tpu.memory_space<hbm>>
      tpu.wait_dma2 semaphore(%run_scoped3A : memref<!tpu.dma_semaphore, #tpu.memory_space<semaphore_mem>>) src(%dma_wait3A_187 : memref<4x128xi32, #tpu.memory_space<hbm>>) dst(%arg7 : memref<4x128xi32, #tpu.memory_space<vmem>>)
      tpu.yield
    }) : () -> ()
    "tpu.region"() ({
      %run_scoped3A = tpu.sem_alloc : memref<!tpu.dma_semaphore, #tpu.memory_space<semaphore_mem>>
      %dma_start3A_172 = arith.constant 0 : i32
      %dma_start3A_173 = arith.constant 0 : i32
      %dma_start3A_174 = tpu.memref_slice %arg3[%add3A, %dma_start3A_172, %dma_start3A_173] : memref<32x4x128xi32, #tpu.memory_space<hbm>> -> memref<1x4x128xi32, #tpu.memory_space<hbm>>
      %dma_start3A_175 = tpu.memref_squeeze %dma_start3A_174 : memref<1x4x128xi32, #tpu.memory_space<hbm>> -> memref<4x128xi32, #tpu.memory_space<hbm>>
      %dma_start3A_176 = arith.constant 0 : i32
      %dma_start3A_177 = arith.constant 0 : i32
      %dma_start3A_178 = tpu.memref_slice %arg3[%add3A, %dma_start3A_176, %dma_start3A_177] : memref<32x4x128xi32, #tpu.memory_space<hbm>> -> memref<1x4x128xi32, #tpu.memory_space<hbm>>
      %dma_start3A_179 = tpu.memref_squeeze %dma_start3A_178 : memref<1x4x128xi32, #tpu.memory_space<hbm>> -> memref<4x128xi32, #tpu.memory_space<hbm>>
      tpu.enqueue_dma source(%dma_start3A_179 : memref<4x128xi32, #tpu.memory_space<hbm>>) target(%arg8 : memref<4x128xi32, #tpu.memory_space<vmem>>) target_semaphore(%run_scoped3A : memref<!tpu.dma_semaphore, #tpu.memory_space<semaphore_mem>>)
      %dma_wait3A_180 = arith.constant 0 : i32
      %dma_wait3A_181 = arith.constant 0 : i32
      %dma_wait3A_182 = tpu.memref_slice %arg3[%add3A, %dma_wait3A_180, %dma_wait3A_181] : memref<32x4x128xi32, #tpu.memory_space<hbm>> -> memref<1x4x128xi32, #tpu.memory_space<hbm>>
      %dma_wait3A_183 = tpu.memref_squeeze %dma_wait3A_182 : memref<1x4x128xi32, #tpu.memory_space<hbm>> -> memref<4x128xi32, #tpu.memory_space<hbm>>
      %dma_wait3A_184 = arith.constant 0 : i32
      %dma_wait3A_185 = arith.constant 0 : i32
      %dma_wait3A_186 = tpu.memref_slice %arg3[%add3A, %dma_wait3A_184, %dma_wait3A_185] : memref<32x4x128xi32, #tpu.memory_space<hbm>> -> memref<1x4x128xi32, #tpu.memory_space<hbm>>
      %dma_wait3A_187 = tpu.memref_squeeze %dma_wait3A_186 : memref<1x4x128xi32, #tpu.memory_space<hbm>> -> memref<4x128xi32, #tpu.memory_space<hbm>>
      tpu.wait_dma2 semaphore(%run_scoped3A : memref<!tpu.dma_semaphore, #tpu.memory_space<semaphore_mem>>) src(%dma_wait3A_187 : memref<4x128xi32, #tpu.memory_space<hbm>>) dst(%arg8 : memref<4x128xi32, #tpu.memory_space<vmem>>)
      tpu.yield
    }) : () -> ()
    %dma_start3A = arith.constant 0 : i32
    %dma_start3A_3 = arith.constant 0 : i32
    %dma_start3A_4 = arith.constant 0 : i32
    %dma_start3A_5 = tpu.memref_slice %arg9[%dma_start3A_3, %dma_start3A_4] : memref<512x32xf32, #tpu.memory_space<vmem>> -> memref<128x32xf32, #tpu.memory_space<vmem>>
    %dma_start3A_6 = arith.constant 0 : i32
    %dma_start3A_7 = tpu.memref_slice %arg7[%dma_start3A, %dma_start3A_6] : memref<4x128xi32, #tpu.memory_space<vmem>> -> memref<1x128xi32, #tpu.memory_space<vmem>>
    %dma_start3A_8 = tpu.memref_squeeze %dma_start3A_7 : memref<1x128xi32, #tpu.memory_space<vmem>> -> memref<128xi32, #tpu.memory_space<vmem>>
    %dma_start3A_9 = arith.constant 0 : i32
    %dma_start3A_10 = arith.constant 0 : i32
    %dma_start3A_11 = tpu.memref_slice %arg4[%dma_start3A_9, %dma_start3A_10] : memref<1000000x32xf32, #tpu.memory_space<hbm>> -> memref<1000000x32xf32, #tpu.memory_space<hbm>>
    tpu.enqueue_indirect_dma source(%dma_start3A_11 : memref<1000000x32xf32, #tpu.memory_space<hbm>>) target(%dma_start3A_5 : memref<128x32xf32, #tpu.memory_space<vmem>>) offsets(%dma_start3A_8 : memref<128xi32, #tpu.memory_space<vmem>>) semaphore(%arg13 : memref<!tpu.dma_semaphore, #tpu.memory_space<semaphore_mem>>)
    %dma_start3A_12 = arith.constant 0 : i32
    %dma_start3A_13 = arith.constant 0 : i32
    %dma_start3A_14 = arith.constant 0 : i32
    %dma_start3A_15 = tpu.memref_slice %arg10[%dma_start3A_13, %dma_start3A_14] : memref<512x32xf32, #tpu.memory_space<vmem>> -> memref<128x32xf32, #tpu.memory_space<vmem>>
    %dma_start3A_16 = arith.constant 0 : i32
    %dma_start3A_17 = tpu.memref_slice %arg8[%dma_start3A_12, %dma_start3A_16] : memref<4x128xi32, #tpu.memory_space<vmem>> -> memref<1x128xi32, #tpu.memory_space<vmem>>
    %dma_start3A_18 = tpu.memref_squeeze %dma_start3A_17 : memref<1x128xi32, #tpu.memory_space<vmem>> -> memref<128xi32, #tpu.memory_space<vmem>>
    %dma_start3A_19 = arith.constant 0 : i32
    %dma_start3A_20 = arith.constant 0 : i32
    %dma_start3A_21 = tpu.memref_slice %arg5[%dma_start3A_19, %dma_start3A_20] : memref<100000x32xf32, #tpu.memory_space<hbm>> -> memref<100000x32xf32, #tpu.memory_space<hbm>>
    tpu.enqueue_indirect_dma source(%dma_start3A_21 : memref<100000x32xf32, #tpu.memory_space<hbm>>) target(%dma_start3A_15 : memref<128x32xf32, #tpu.memory_space<vmem>>) offsets(%dma_start3A_18 : memref<128xi32, #tpu.memory_space<vmem>>) semaphore(%arg14 : memref<!tpu.dma_semaphore, #tpu.memory_space<semaphore_mem>>)
    %dma_start3A_22 = arith.constant 1 : i32
    %dma_start3A_23 = arith.constant 128 : i32
    %dma_start3A_24 = arith.constant 0 : i32
    %dma_start3A_25 = tpu.memref_slice %arg9[%dma_start3A_23, %dma_start3A_24] : memref<512x32xf32, #tpu.memory_space<vmem>> -> memref<128x32xf32, #tpu.memory_space<vmem>>
    %dma_start3A_26 = arith.constant 0 : i32
    %dma_start3A_27 = tpu.memref_slice %arg7[%dma_start3A_22, %dma_start3A_26] : memref<4x128xi32, #tpu.memory_space<vmem>> -> memref<1x128xi32, #tpu.memory_space<vmem>>
    %dma_start3A_28 = tpu.memref_squeeze %dma_start3A_27 : memref<1x128xi32, #tpu.memory_space<vmem>> -> memref<128xi32, #tpu.memory_space<vmem>>
    %dma_start3A_29 = arith.constant 0 : i32
    %dma_start3A_30 = arith.constant 0 : i32
    %dma_start3A_31 = tpu.memref_slice %arg4[%dma_start3A_29, %dma_start3A_30] : memref<1000000x32xf32, #tpu.memory_space<hbm>> -> memref<1000000x32xf32, #tpu.memory_space<hbm>>
    tpu.enqueue_indirect_dma source(%dma_start3A_31 : memref<1000000x32xf32, #tpu.memory_space<hbm>>) target(%dma_start3A_25 : memref<128x32xf32, #tpu.memory_space<vmem>>) offsets(%dma_start3A_28 : memref<128xi32, #tpu.memory_space<vmem>>) semaphore(%arg13 : memref<!tpu.dma_semaphore, #tpu.memory_space<semaphore_mem>>)
    %dma_start3A_32 = arith.constant 1 : i32
    %dma_start3A_33 = arith.constant 128 : i32
    %dma_start3A_34 = arith.constant 0 : i32
    %dma_start3A_35 = tpu.memref_slice %arg10[%dma_start3A_33, %dma_start3A_34] : memref<512x32xf32, #tpu.memory_space<vmem>> -> memref<128x32xf32, #tpu.memory_space<vmem>>
    %dma_start3A_36 = arith.constant 0 : i32
    %dma_start3A_37 = tpu.memref_slice %arg8[%dma_start3A_32, %dma_start3A_36] : memref<4x128xi32, #tpu.memory_space<vmem>> -> memref<1x128xi32, #tpu.memory_space<vmem>>
    %dma_start3A_38 = tpu.memref_squeeze %dma_start3A_37 : memref<1x128xi32, #tpu.memory_space<vmem>> -> memref<128xi32, #tpu.memory_space<vmem>>
    %dma_start3A_39 = arith.constant 0 : i32
    %dma_start3A_40 = arith.constant 0 : i32
    %dma_start3A_41 = tpu.memref_slice %arg5[%dma_start3A_39, %dma_start3A_40] : memref<100000x32xf32, #tpu.memory_space<hbm>> -> memref<100000x32xf32, #tpu.memory_space<hbm>>
    tpu.enqueue_indirect_dma source(%dma_start3A_41 : memref<100000x32xf32, #tpu.memory_space<hbm>>) target(%dma_start3A_35 : memref<128x32xf32, #tpu.memory_space<vmem>>) offsets(%dma_start3A_38 : memref<128xi32, #tpu.memory_space<vmem>>) semaphore(%arg14 : memref<!tpu.dma_semaphore, #tpu.memory_space<semaphore_mem>>)
    %dma_start3A_42 = arith.constant 2 : i32
    %dma_start3A_43 = arith.constant 256 : i32
    %dma_start3A_44 = arith.constant 0 : i32
    %dma_start3A_45 = tpu.memref_slice %arg9[%dma_start3A_43, %dma_start3A_44] : memref<512x32xf32, #tpu.memory_space<vmem>> -> memref<128x32xf32, #tpu.memory_space<vmem>>
    %dma_start3A_46 = arith.constant 0 : i32
    %dma_start3A_47 = tpu.memref_slice %arg7[%dma_start3A_42, %dma_start3A_46] : memref<4x128xi32, #tpu.memory_space<vmem>> -> memref<1x128xi32, #tpu.memory_space<vmem>>
    %dma_start3A_48 = tpu.memref_squeeze %dma_start3A_47 : memref<1x128xi32, #tpu.memory_space<vmem>> -> memref<128xi32, #tpu.memory_space<vmem>>
    %dma_start3A_49 = arith.constant 0 : i32
    %dma_start3A_50 = arith.constant 0 : i32
    %dma_start3A_51 = tpu.memref_slice %arg4[%dma_start3A_49, %dma_start3A_50] : memref<1000000x32xf32, #tpu.memory_space<hbm>> -> memref<1000000x32xf32, #tpu.memory_space<hbm>>
    tpu.enqueue_indirect_dma source(%dma_start3A_51 : memref<1000000x32xf32, #tpu.memory_space<hbm>>) target(%dma_start3A_45 : memref<128x32xf32, #tpu.memory_space<vmem>>) offsets(%dma_start3A_48 : memref<128xi32, #tpu.memory_space<vmem>>) semaphore(%arg13 : memref<!tpu.dma_semaphore, #tpu.memory_space<semaphore_mem>>)
    %dma_start3A_52 = arith.constant 2 : i32
    %dma_start3A_53 = arith.constant 256 : i32
    %dma_start3A_54 = arith.constant 0 : i32
    %dma_start3A_55 = tpu.memref_slice %arg10[%dma_start3A_53, %dma_start3A_54] : memref<512x32xf32, #tpu.memory_space<vmem>> -> memref<128x32xf32, #tpu.memory_space<vmem>>
    %dma_start3A_56 = arith.constant 0 : i32
    %dma_start3A_57 = tpu.memref_slice %arg8[%dma_start3A_52, %dma_start3A_56] : memref<4x128xi32, #tpu.memory_space<vmem>> -> memref<1x128xi32, #tpu.memory_space<vmem>>
    %dma_start3A_58 = tpu.memref_squeeze %dma_start3A_57 : memref<1x128xi32, #tpu.memory_space<vmem>> -> memref<128xi32, #tpu.memory_space<vmem>>
    %dma_start3A_59 = arith.constant 0 : i32
    %dma_start3A_60 = arith.constant 0 : i32
    %dma_start3A_61 = tpu.memref_slice %arg5[%dma_start3A_59, %dma_start3A_60] : memref<100000x32xf32, #tpu.memory_space<hbm>> -> memref<100000x32xf32, #tpu.memory_space<hbm>>
    tpu.enqueue_indirect_dma source(%dma_start3A_61 : memref<100000x32xf32, #tpu.memory_space<hbm>>) target(%dma_start3A_55 : memref<128x32xf32, #tpu.memory_space<vmem>>) offsets(%dma_start3A_58 : memref<128xi32, #tpu.memory_space<vmem>>) semaphore(%arg14 : memref<!tpu.dma_semaphore, #tpu.memory_space<semaphore_mem>>)
    %dma_start3A_62 = arith.constant 3 : i32
    %dma_start3A_63 = arith.constant 384 : i32
    %dma_start3A_64 = arith.constant 0 : i32
    %dma_start3A_65 = tpu.memref_slice %arg9[%dma_start3A_63, %dma_start3A_64] : memref<512x32xf32, #tpu.memory_space<vmem>> -> memref<128x32xf32, #tpu.memory_space<vmem>>
    %dma_start3A_66 = arith.constant 0 : i32
    %dma_start3A_67 = tpu.memref_slice %arg7[%dma_start3A_62, %dma_start3A_66] : memref<4x128xi32, #tpu.memory_space<vmem>> -> memref<1x128xi32, #tpu.memory_space<vmem>>
    %dma_start3A_68 = tpu.memref_squeeze %dma_start3A_67 : memref<1x128xi32, #tpu.memory_space<vmem>> -> memref<128xi32, #tpu.memory_space<vmem>>
    %dma_start3A_69 = arith.constant 0 : i32
    %dma_start3A_70 = arith.constant 0 : i32
    %dma_start3A_71 = tpu.memref_slice %arg4[%dma_start3A_69, %dma_start3A_70] : memref<1000000x32xf32, #tpu.memory_space<hbm>> -> memref<1000000x32xf32, #tpu.memory_space<hbm>>
    tpu.enqueue_indirect_dma source(%dma_start3A_71 : memref<1000000x32xf32, #tpu.memory_space<hbm>>) target(%dma_start3A_65 : memref<128x32xf32, #tpu.memory_space<vmem>>) offsets(%dma_start3A_68 : memref<128xi32, #tpu.memory_space<vmem>>) semaphore(%arg13 : memref<!tpu.dma_semaphore, #tpu.memory_space<semaphore_mem>>)
    %dma_start3A_72 = arith.constant 3 : i32
    %dma_start3A_73 = arith.constant 384 : i32
    %dma_start3A_74 = arith.constant 0 : i32
    %dma_start3A_75 = tpu.memref_slice %arg10[%dma_start3A_73, %dma_start3A_74] : memref<512x32xf32, #tpu.memory_space<vmem>> -> memref<128x32xf32, #tpu.memory_space<vmem>>
    %dma_start3A_76 = arith.constant 0 : i32
    %dma_start3A_77 = tpu.memref_slice %arg8[%dma_start3A_72, %dma_start3A_76] : memref<4x128xi32, #tpu.memory_space<vmem>> -> memref<1x128xi32, #tpu.memory_space<vmem>>
    %dma_start3A_78 = tpu.memref_squeeze %dma_start3A_77 : memref<1x128xi32, #tpu.memory_space<vmem>> -> memref<128xi32, #tpu.memory_space<vmem>>
    %dma_start3A_79 = arith.constant 0 : i32
    %dma_start3A_80 = arith.constant 0 : i32
    %dma_start3A_81 = tpu.memref_slice %arg5[%dma_start3A_79, %dma_start3A_80] : memref<100000x32xf32, #tpu.memory_space<hbm>> -> memref<100000x32xf32, #tpu.memory_space<hbm>>
    tpu.enqueue_indirect_dma source(%dma_start3A_81 : memref<100000x32xf32, #tpu.memory_space<hbm>>) target(%dma_start3A_75 : memref<128x32xf32, #tpu.memory_space<vmem>>) offsets(%dma_start3A_78 : memref<128xi32, #tpu.memory_space<vmem>>) semaphore(%arg14 : memref<!tpu.dma_semaphore, #tpu.memory_space<semaphore_mem>>)
    %dma_wait3A = arith.constant 0 : i32
    %dma_wait3A_82 = arith.constant 0 : i32
    %dma_wait3A_83 = arith.constant 0 : i32
    %dma_wait3A_84 = tpu.memref_slice %arg9[%dma_wait3A_82, %dma_wait3A_83] : memref<512x32xf32, #tpu.memory_space<vmem>> -> memref<128x32xf32, #tpu.memory_space<vmem>>
    %dma_wait3A_85 = arith.constant 0 : i32
    %dma_wait3A_86 = tpu.memref_slice %arg7[%dma_wait3A, %dma_wait3A_85] : memref<4x128xi32, #tpu.memory_space<vmem>> -> memref<1x128xi32, #tpu.memory_space<vmem>>
    %dma_wait3A_87 = tpu.memref_squeeze %dma_wait3A_86 : memref<1x128xi32, #tpu.memory_space<vmem>> -> memref<128xi32, #tpu.memory_space<vmem>>
    %dma_wait3A_88 = arith.constant 0 : i32
    %dma_wait3A_89 = arith.constant 0 : i32
    %dma_wait3A_90 = tpu.memref_slice %arg4[%dma_wait3A_88, %dma_wait3A_89] : memref<1000000x32xf32, #tpu.memory_space<hbm>> -> memref<1000000x32xf32, #tpu.memory_space<hbm>>
    tpu.wait_indirect_dma semaphore(%arg13 : memref<!tpu.dma_semaphore, #tpu.memory_space<semaphore_mem>>) src(%dma_wait3A_90 : memref<1000000x32xf32, #tpu.memory_space<hbm>>) dst(%dma_wait3A_84 : memref<128x32xf32, #tpu.memory_space<vmem>>)
    %dma_wait3A_91 = arith.constant 0 : i32
    %dma_wait3A_92 = arith.constant 0 : i32
    %dma_wait3A_93 = arith.constant 0 : i32
    %dma_wait3A_94 = tpu.memref_slice %arg10[%dma_wait3A_92, %dma_wait3A_93] : memref<512x32xf32, #tpu.memory_space<vmem>> -> memref<128x32xf32, #tpu.memory_space<vmem>>
    %dma_wait3A_95 = arith.constant 0 : i32
    %dma_wait3A_96 = tpu.memref_slice %arg8[%dma_wait3A_91, %dma_wait3A_95] : memref<4x128xi32, #tpu.memory_space<vmem>> -> memref<1x128xi32, #tpu.memory_space<vmem>>
    %dma_wait3A_97 = tpu.memref_squeeze %dma_wait3A_96 : memref<1x128xi32, #tpu.memory_space<vmem>> -> memref<128xi32, #tpu.memory_space<vmem>>
    %dma_wait3A_98 = arith.constant 0 : i32
    %dma_wait3A_99 = arith.constant 0 : i32
    %dma_wait3A_100 = tpu.memref_slice %arg5[%dma_wait3A_98, %dma_wait3A_99] : memref<100000x32xf32, #tpu.memory_space<hbm>> -> memref<100000x32xf32, #tpu.memory_space<hbm>>
    tpu.wait_indirect_dma semaphore(%arg14 : memref<!tpu.dma_semaphore, #tpu.memory_space<semaphore_mem>>) src(%dma_wait3A_100 : memref<100000x32xf32, #tpu.memory_space<hbm>>) dst(%dma_wait3A_94 : memref<128x32xf32, #tpu.memory_space<vmem>>)
    %dma_wait3A_101 = arith.constant 1 : i32
    %dma_wait3A_102 = arith.constant 128 : i32
    %dma_wait3A_103 = arith.constant 0 : i32
    %dma_wait3A_104 = tpu.memref_slice %arg9[%dma_wait3A_102, %dma_wait3A_103] : memref<512x32xf32, #tpu.memory_space<vmem>> -> memref<128x32xf32, #tpu.memory_space<vmem>>
    %dma_wait3A_105 = arith.constant 0 : i32
    %dma_wait3A_106 = tpu.memref_slice %arg7[%dma_wait3A_101, %dma_wait3A_105] : memref<4x128xi32, #tpu.memory_space<vmem>> -> memref<1x128xi32, #tpu.memory_space<vmem>>
    %dma_wait3A_107 = tpu.memref_squeeze %dma_wait3A_106 : memref<1x128xi32, #tpu.memory_space<vmem>> -> memref<128xi32, #tpu.memory_space<vmem>>
    %dma_wait3A_108 = arith.constant 0 : i32
    %dma_wait3A_109 = arith.constant 0 : i32
    %dma_wait3A_110 = tpu.memref_slice %arg4[%dma_wait3A_108, %dma_wait3A_109] : memref<1000000x32xf32, #tpu.memory_space<hbm>> -> memref<1000000x32xf32, #tpu.memory_space<hbm>>
    tpu.wait_indirect_dma semaphore(%arg13 : memref<!tpu.dma_semaphore, #tpu.memory_space<semaphore_mem>>) src(%dma_wait3A_110 : memref<1000000x32xf32, #tpu.memory_space<hbm>>) dst(%dma_wait3A_104 : memref<128x32xf32, #tpu.memory_space<vmem>>)
    %dma_wait3A_111 = arith.constant 1 : i32
    %dma_wait3A_112 = arith.constant 128 : i32
    %dma_wait3A_113 = arith.constant 0 : i32
    %dma_wait3A_114 = tpu.memref_slice %arg10[%dma_wait3A_112, %dma_wait3A_113] : memref<512x32xf32, #tpu.memory_space<vmem>> -> memref<128x32xf32, #tpu.memory_space<vmem>>
    %dma_wait3A_115 = arith.constant 0 : i32
    %dma_wait3A_116 = tpu.memref_slice %arg8[%dma_wait3A_111, %dma_wait3A_115] : memref<4x128xi32, #tpu.memory_space<vmem>> -> memref<1x128xi32, #tpu.memory_space<vmem>>
    %dma_wait3A_117 = tpu.memref_squeeze %dma_wait3A_116 : memref<1x128xi32, #tpu.memory_space<vmem>> -> memref<128xi32, #tpu.memory_space<vmem>>
    %dma_wait3A_118 = arith.constant 0 : i32
    %dma_wait3A_119 = arith.constant 0 : i32
    %dma_wait3A_120 = tpu.memref_slice %arg5[%dma_wait3A_118, %dma_wait3A_119] : memref<100000x32xf32, #tpu.memory_space<hbm>> -> memref<100000x32xf32, #tpu.memory_space<hbm>>
    tpu.wait_indirect_dma semaphore(%arg14 : memref<!tpu.dma_semaphore, #tpu.memory_space<semaphore_mem>>) src(%dma_wait3A_120 : memref<100000x32xf32, #tpu.memory_space<hbm>>) dst(%dma_wait3A_114 : memref<128x32xf32, #tpu.memory_space<vmem>>)
    %dma_wait3A_121 = arith.constant 2 : i32
    %dma_wait3A_122 = arith.constant 256 : i32
    %dma_wait3A_123 = arith.constant 0 : i32
    %dma_wait3A_124 = tpu.memref_slice %arg9[%dma_wait3A_122, %dma_wait3A_123] : memref<512x32xf32, #tpu.memory_space<vmem>> -> memref<128x32xf32, #tpu.memory_space<vmem>>
    %dma_wait3A_125 = arith.constant 0 : i32
    %dma_wait3A_126 = tpu.memref_slice %arg7[%dma_wait3A_121, %dma_wait3A_125] : memref<4x128xi32, #tpu.memory_space<vmem>> -> memref<1x128xi32, #tpu.memory_space<vmem>>
    %dma_wait3A_127 = tpu.memref_squeeze %dma_wait3A_126 : memref<1x128xi32, #tpu.memory_space<vmem>> -> memref<128xi32, #tpu.memory_space<vmem>>
    %dma_wait3A_128 = arith.constant 0 : i32
    %dma_wait3A_129 = arith.constant 0 : i32
    %dma_wait3A_130 = tpu.memref_slice %arg4[%dma_wait3A_128, %dma_wait3A_129] : memref<1000000x32xf32, #tpu.memory_space<hbm>> -> memref<1000000x32xf32, #tpu.memory_space<hbm>>
    tpu.wait_indirect_dma semaphore(%arg13 : memref<!tpu.dma_semaphore, #tpu.memory_space<semaphore_mem>>) src(%dma_wait3A_130 : memref<1000000x32xf32, #tpu.memory_space<hbm>>) dst(%dma_wait3A_124 : memref<128x32xf32, #tpu.memory_space<vmem>>)
    %dma_wait3A_131 = arith.constant 2 : i32
    %dma_wait3A_132 = arith.constant 256 : i32
    %dma_wait3A_133 = arith.constant 0 : i32
    %dma_wait3A_134 = tpu.memref_slice %arg10[%dma_wait3A_132, %dma_wait3A_133] : memref<512x32xf32, #tpu.memory_space<vmem>> -> memref<128x32xf32, #tpu.memory_space<vmem>>
    %dma_wait3A_135 = arith.constant 0 : i32
    %dma_wait3A_136 = tpu.memref_slice %arg8[%dma_wait3A_131, %dma_wait3A_135] : memref<4x128xi32, #tpu.memory_space<vmem>> -> memref<1x128xi32, #tpu.memory_space<vmem>>
    %dma_wait3A_137 = tpu.memref_squeeze %dma_wait3A_136 : memref<1x128xi32, #tpu.memory_space<vmem>> -> memref<128xi32, #tpu.memory_space<vmem>>
    %dma_wait3A_138 = arith.constant 0 : i32
    %dma_wait3A_139 = arith.constant 0 : i32
    %dma_wait3A_140 = tpu.memref_slice %arg5[%dma_wait3A_138, %dma_wait3A_139] : memref<100000x32xf32, #tpu.memory_space<hbm>> -> memref<100000x32xf32, #tpu.memory_space<hbm>>
    tpu.wait_indirect_dma semaphore(%arg14 : memref<!tpu.dma_semaphore, #tpu.memory_space<semaphore_mem>>) src(%dma_wait3A_140 : memref<100000x32xf32, #tpu.memory_space<hbm>>) dst(%dma_wait3A_134 : memref<128x32xf32, #tpu.memory_space<vmem>>)
    %dma_wait3A_141 = arith.constant 3 : i32
    %dma_wait3A_142 = arith.constant 384 : i32
    %dma_wait3A_143 = arith.constant 0 : i32
    %dma_wait3A_144 = tpu.memref_slice %arg9[%dma_wait3A_142, %dma_wait3A_143] : memref<512x32xf32, #tpu.memory_space<vmem>> -> memref<128x32xf32, #tpu.memory_space<vmem>>
    %dma_wait3A_145 = arith.constant 0 : i32
    %dma_wait3A_146 = tpu.memref_slice %arg7[%dma_wait3A_141, %dma_wait3A_145] : memref<4x128xi32, #tpu.memory_space<vmem>> -> memref<1x128xi32, #tpu.memory_space<vmem>>
    %dma_wait3A_147 = tpu.memref_squeeze %dma_wait3A_146 : memref<1x128xi32, #tpu.memory_space<vmem>> -> memref<128xi32, #tpu.memory_space<vmem>>
    %dma_wait3A_148 = arith.constant 0 : i32
    %dma_wait3A_149 = arith.constant 0 : i32
    %dma_wait3A_150 = tpu.memref_slice %arg4[%dma_wait3A_148, %dma_wait3A_149] : memref<1000000x32xf32, #tpu.memory_space<hbm>> -> memref<1000000x32xf32, #tpu.memory_space<hbm>>
    tpu.wait_indirect_dma semaphore(%arg13 : memref<!tpu.dma_semaphore, #tpu.memory_space<semaphore_mem>>) src(%dma_wait3A_150 : memref<1000000x32xf32, #tpu.memory_space<hbm>>) dst(%dma_wait3A_144 : memref<128x32xf32, #tpu.memory_space<vmem>>)
    %dma_wait3A_151 = arith.constant 3 : i32
    %dma_wait3A_152 = arith.constant 384 : i32
    %dma_wait3A_153 = arith.constant 0 : i32
    %dma_wait3A_154 = tpu.memref_slice %arg10[%dma_wait3A_152, %dma_wait3A_153] : memref<512x32xf32, #tpu.memory_space<vmem>> -> memref<128x32xf32, #tpu.memory_space<vmem>>
    %dma_wait3A_155 = arith.constant 0 : i32
    %dma_wait3A_156 = tpu.memref_slice %arg8[%dma_wait3A_151, %dma_wait3A_155] : memref<4x128xi32, #tpu.memory_space<vmem>> -> memref<1x128xi32, #tpu.memory_space<vmem>>
    %dma_wait3A_157 = tpu.memref_squeeze %dma_wait3A_156 : memref<1x128xi32, #tpu.memory_space<vmem>> -> memref<128xi32, #tpu.memory_space<vmem>>
    %dma_wait3A_158 = arith.constant 0 : i32
    %dma_wait3A_159 = arith.constant 0 : i32
    %dma_wait3A_160 = tpu.memref_slice %arg5[%dma_wait3A_158, %dma_wait3A_159] : memref<100000x32xf32, #tpu.memory_space<hbm>> -> memref<100000x32xf32, #tpu.memory_space<hbm>>
    tpu.wait_indirect_dma semaphore(%arg14 : memref<!tpu.dma_semaphore, #tpu.memory_space<semaphore_mem>>) src(%dma_wait3A_160 : memref<100000x32xf32, #tpu.memory_space<hbm>>) dst(%dma_wait3A_154 : memref<128x32xf32, #tpu.memory_space<vmem>>)
    %scan3A = arith.constant 0 : i32
    %scan3A_161 = arith.constant 0 : i32
    %scan3A_162 = arith.constant 512 : i32
    %scan3A_163 = arith.addi %scan3A_161, %scan3A_162 : i32
    %scan3A_164 = arith.constant 1 : i32
    scf.for %scan3A_172 = %scan3A_161 to %scan3A_163 step %scan3A_164  : i32 {
      %get3A = arith.index_cast %scan3A_172 : i32 to index
      %get3A_173 = arith.constant 0 : index
      %get3A_174 = tpu.vector_load %arg9[%get3A, %get3A_173] {strides = array<i32>} : memref<512x32xf32, #tpu.memory_space<vmem>>, vector<16xf32>,
      %get3A_175 = arith.index_cast %scan3A_172 : i32 to index
      %get3A_176 = arith.constant 16 : index
      %get3A_177 = tpu.vector_load %arg9[%get3A_175, %get3A_176] {strides = array<i32>} : memref<512x32xf32, #tpu.memory_space<vmem>>, vector<16xf32>,
      %get3A_178 = arith.index_cast %scan3A_172 : i32 to index
      %get3A_179 = arith.constant 0 : index
      %get3A_180 = tpu.vector_load %arg10[%get3A_178, %get3A_179] {strides = array<i32>} : memref<512x32xf32, #tpu.memory_space<vmem>>, vector<16xf32>,
      %get3A_181 = arith.index_cast %scan3A_172 : i32 to index
      %get3A_182 = arith.constant 16 : index
      %get3A_183 = tpu.vector_load %arg10[%get3A_181, %get3A_182] {strides = array<i32>} : memref<512x32xf32, #tpu.memory_space<vmem>>, vector<16xf32>,
      %mul3A_184 = arith.mulf %get3A_174, %get3A_180 : vector<16xf32>
      %mul3A_185 = arith.mulf %get3A_177, %get3A_183 : vector<16xf32>
      %add3A_186 = arith.addf %mul3A_184, %mul3A_185 : vector<16xf32>
      %mul3A_187 = arith.constant 16 : i32
      %mul3A_188 = arith.muli %scan3A_172, %mul3A_187 : i32
      %swap3A = arith.index_cast %mul3A_188 : i32 to index
      %swap3A_189 = tpu.vector_load %arg11[%swap3A] {strides = array<i32>} : memref<8192xf32, #tpu.memory_space<vmem>>, vector<16xf32>,
      tpu.vector_store %arg11[%swap3A], %add3A_186 {strides = array<i32>} : memref<8192xf32, #tpu.memory_space<vmem>>, vector<16xf32>,
    }
    %scan3A_165 = arith.constant 512 : i32
    %iota3A = tpu.iota {dimensions = array<i32: 0>} : vector<16xi32>
    %scan3A_166 = arith.constant 0 : i32
    %scan3A_167 = arith.constant 0 : i32
    %scan3A_168 = arith.constant 32 : i32
    %scan3A_169 = arith.addi %scan3A_167, %scan3A_168 : i32
    %scan3A_170 = arith.constant 1 : i32
    scf.for %scan3A_172 = %scan3A_167 to %scan3A_169 step %scan3A_170  : i32 {
      %mul3A_173 = arith.constant 16 : i32
      %mul3A_174 = arith.muli %scan3A_172, %mul3A_173 : i32
      %add3A_175 = vector.broadcast %mul3A_174 : i32 to vector<16xi32>
      %add3A_176 = arith.addi %add3A_175, %iota3A : vector<16xi32>
      %mul3A_177 = arith.constant 16 : i32
      %mul3A_178 = vector.broadcast %mul3A_177 : i32 to vector<16xi32>
      %mul3A_179 = arith.muli %add3A_176, %mul3A_178 : vector<16xi32>
      %gather3A = tpu.vector_load_idx %arg11[%mul3A_179] : memref<8192xf32, #tpu.memory_space<vmem>>[vector<16xi32>], vector<16xf32>,
      %add3A_180 = arith.constant 1 : i32
      %add3A_181 = vector.broadcast %add3A_180 : i32 to vector<16xi32>
      %add3A_182 = arith.addi %mul3A_179, %add3A_181 : vector<16xi32>
      %gather3A_183 = tpu.vector_load_idx %arg11[%add3A_182] : memref<8192xf32, #tpu.memory_space<vmem>>[vector<16xi32>], vector<16xf32>,
      %add3A_184 = arith.addf %gather3A, %gather3A_183 : vector<16xf32>
      %add3A_185 = arith.constant 2 : i32
      %add3A_186 = vector.broadcast %add3A_185 : i32 to vector<16xi32>
      %add3A_187 = arith.addi %mul3A_179, %add3A_186 : vector<16xi32>
      %gather3A_188 = tpu.vector_load_idx %arg11[%add3A_187] : memref<8192xf32, #tpu.memory_space<vmem>>[vector<16xi32>], vector<16xf32>,
      %add3A_189 = arith.addf %add3A_184, %gather3A_188 : vector<16xf32>
      %add3A_190 = arith.constant 3 : i32
      %add3A_191 = vector.broadcast %add3A_190 : i32 to vector<16xi32>
      %add3A_192 = arith.addi %mul3A_179, %add3A_191 : vector<16xi32>
      %gather3A_193 = tpu.vector_load_idx %arg11[%add3A_192] : memref<8192xf32, #tpu.memory_space<vmem>>[vector<16xi32>], vector<16xf32>,
      %add3A_194 = arith.addf %add3A_189, %gather3A_193 : vector<16xf32>
      %add3A_195 = arith.constant 4 : i32
      %add3A_196 = vector.broadcast %add3A_195 : i32 to vector<16xi32>
      %add3A_197 = arith.addi %mul3A_179, %add3A_196 : vector<16xi32>
      %gather3A_198 = tpu.vector_load_idx %arg11[%add3A_197] : memref<8192xf32, #tpu.memory_space<vmem>>[vector<16xi32>], vector<16xf32>,
      %add3A_199 = arith.addf %add3A_194, %gather3A_198 : vector<16xf32>
      %add3A_200 = arith.constant 5 : i32
      %add3A_201 = vector.broadcast %add3A_200 : i32 to vector<16xi32>
      %add3A_202 = arith.addi %mul3A_179, %add3A_201 : vector<16xi32>
      %gather3A_203 = tpu.vector_load_idx %arg11[%add3A_202] : memref<8192xf32, #tpu.memory_space<vmem>>[vector<16xi32>], vector<16xf32>,
      %add3A_204 = arith.addf %add3A_199, %gather3A_203 : vector<16xf32>
      %add3A_205 = arith.constant 6 : i32
      %add3A_206 = vector.broadcast %add3A_205 : i32 to vector<16xi32>
      %add3A_207 = arith.addi %mul3A_179, %add3A_206 : vector<16xi32>
      %gather3A_208 = tpu.vector_load_idx %arg11[%add3A_207] : memref<8192xf32, #tpu.memory_space<vmem>>[vector<16xi32>], vector<16xf32>,
      %add3A_209 = arith.addf %add3A_204, %gather3A_208 : vector<16xf32>
      %add3A_210 = arith.constant 7 : i32
      %add3A_211 = vector.broadcast %add3A_210 : i32 to vector<16xi32>
      %add3A_212 = arith.addi %mul3A_179, %add3A_211 : vector<16xi32>
      %gather3A_213 = tpu.vector_load_idx %arg11[%add3A_212] : memref<8192xf32, #tpu.memory_space<vmem>>[vector<16xi32>], vector<16xf32>,
      %add3A_214 = arith.addf %add3A_209, %gather3A_213 : vector<16xf32>
      %add3A_215 = arith.constant 8 : i32
      %add3A_216 = vector.broadcast %add3A_215 : i32 to vector<16xi32>
      %add3A_217 = arith.addi %mul3A_179, %add3A_216 : vector<16xi32>
      %gather3A_218 = tpu.vector_load_idx %arg11[%add3A_217] : memref<8192xf32, #tpu.memory_space<vmem>>[vector<16xi32>], vector<16xf32>,
      %add3A_219 = arith.addf %add3A_214, %gather3A_218 : vector<16xf32>
      %add3A_220 = arith.constant 9 : i32
      %add3A_221 = vector.broadcast %add3A_220 : i32 to vector<16xi32>
      %add3A_222 = arith.addi %mul3A_179, %add3A_221 : vector<16xi32>
      %gather3A_223 = tpu.vector_load_idx %arg11[%add3A_222] : memref<8192xf32, #tpu.memory_space<vmem>>[vector<16xi32>], vector<16xf32>,
      %add3A_224 = arith.addf %add3A_219, %gather3A_223 : vector<16xf32>
      %add3A_225 = arith.constant 10 : i32
      %add3A_226 = vector.broadcast %add3A_225 : i32 to vector<16xi32>
      %add3A_227 = arith.addi %mul3A_179, %add3A_226 : vector<16xi32>
      %gather3A_228 = tpu.vector_load_idx %arg11[%add3A_227] : memref<8192xf32, #tpu.memory_space<vmem>>[vector<16xi32>], vector<16xf32>,
      %add3A_229 = arith.addf %add3A_224, %gather3A_228 : vector<16xf32>
      %add3A_230 = arith.constant 11 : i32
      %add3A_231 = vector.broadcast %add3A_230 : i32 to vector<16xi32>
      %add3A_232 = arith.addi %mul3A_179, %add3A_231 : vector<16xi32>
      %gather3A_233 = tpu.vector_load_idx %arg11[%add3A_232] : memref<8192xf32, #tpu.memory_space<vmem>>[vector<16xi32>], vector<16xf32>,
      %add3A_234 = arith.addf %add3A_229, %gather3A_233 : vector<16xf32>
      %add3A_235 = arith.constant 12 : i32
      %add3A_236 = vector.broadcast %add3A_235 : i32 to vector<16xi32>
      %add3A_237 = arith.addi %mul3A_179, %add3A_236 : vector<16xi32>
      %gather3A_238 = tpu.vector_load_idx %arg11[%add3A_237] : memref<8192xf32, #tpu.memory_space<vmem>>[vector<16xi32>], vector<16xf32>,
      %add3A_239 = arith.addf %add3A_234, %gather3A_238 : vector<16xf32>
      %add3A_240 = arith.constant 13 : i32
      %add3A_241 = vector.broadcast %add3A_240 : i32 to vector<16xi32>
      %add3A_242 = arith.addi %mul3A_179, %add3A_241 : vector<16xi32>
      %gather3A_243 = tpu.vector_load_idx %arg11[%add3A_242] : memref<8192xf32, #tpu.memory_space<vmem>>[vector<16xi32>], vector<16xf32>,
      %add3A_244 = arith.addf %add3A_239, %gather3A_243 : vector<16xf32>
      %add3A_245 = arith.constant 14 : i32
      %add3A_246 = vector.broadcast %add3A_245 : i32 to vector<16xi32>
      %add3A_247 = arith.addi %mul3A_179, %add3A_246 : vector<16xi32>
      %gather3A_248 = tpu.vector_load_idx %arg11[%add3A_247] : memref<8192xf32, #tpu.memory_space<vmem>>[vector<16xi32>], vector<16xf32>,
      %add3A_249 = arith.addf %add3A_244, %gather3A_248 : vector<16xf32>
      %add3A_250 = arith.constant 15 : i32
      %add3A_251 = vector.broadcast %add3A_250 : i32 to vector<16xi32>
      %add3A_252 = arith.addi %mul3A_179, %add3A_251 : vector<16xi32>
      %gather3A_253 = tpu.vector_load_idx %arg11[%add3A_252] : memref<8192xf32, #tpu.memory_space<vmem>>[vector<16xi32>], vector<16xf32>,
      %add3A_254 = arith.addf %add3A_249, %gather3A_253 : vector<16xf32>
      %mul3A_255 = arith.constant 16 : i32
      %mul3A_256 = arith.muli %scan3A_172, %mul3A_255 : i32
      %swap3A = arith.index_cast %mul3A_256 : i32 to index
      %swap3A_257 = tpu.vector_load %arg12[%swap3A] {strides = array<i32>} : memref<512xf32, #tpu.memory_space<vmem>>, vector<16xf32>,
      tpu.vector_store %arg12[%swap3A], %add3A_254 {strides = array<i32>} : memref<512xf32, #tpu.memory_space<vmem>>, vector<16xf32>,
    }
    %scan3A_171 = arith.constant 32 : i32
    "tpu.region"() ({
      %run_scoped3A = tpu.sem_alloc : memref<!tpu.dma_semaphore, #tpu.memory_space<semaphore_mem>>
      %dma_start3A_172 = tpu.memref_slice %arg6[%mul3A_2] : memref<16384xf32, #tpu.memory_space<hbm>> -> memref<512xf32, #tpu.memory_space<hbm>>
      %dma_start3A_173 = tpu.memref_slice %arg6[%mul3A_2] : memref<16384xf32, #tpu.memory_space<hbm>> -> memref<512xf32, #tpu.memory_space<hbm>>
      tpu.enqueue_dma source(%arg12 : memref<512xf32, #tpu.memory_space<vmem>>) target(%dma_start3A_173 : memref<512xf32, #tpu.memory_space<hbm>>) target_semaphore(%run_scoped3A : memref<!tpu.dma_semaphore, #tpu.memory_space<semaphore_mem>>)
      %dma_wait3A_174 = tpu.memref_slice %arg6[%mul3A_2] : memref<16384xf32, #tpu.memory_space<hbm>> -> memref<512xf32, #tpu.memory_space<hbm>>
      %dma_wait3A_175 = tpu.memref_slice %arg6[%mul3A_2] : memref<16384xf32, #tpu.memory_space<hbm>> -> memref<512xf32, #tpu.memory_space<hbm>>
      tpu.wait_dma2 semaphore(%run_scoped3A : memref<!tpu.dma_semaphore, #tpu.memory_space<semaphore_mem>>) src(%arg12 : memref<512xf32, #tpu.memory_space<vmem>>) dst(%dma_wait3A_175 : memref<512xf32, #tpu.memory_space<hbm>>)
      tpu.yield
    }) : () -> ()
    return
  }
}

</mosaic_0001>

<sc_bundles>
// kernel: kernel.3.cloned.1.call-start
scs
__scs_entry_jumppad:
0x0: {  	(pc) =	sbr.rel $0x88, $3  }
0x1: {  	(tag) =	ssettag $0x0;
	lr =	simm.s32 $0x1  }
0x2: {  	[smem:$0x3F9D] =	sst lr;
	_ =	strace $0xD0000000  }
0x3: {  	_ = 	snop  }
0x4: {  	_ = 	snop  }
0x5: {  	_ = 	snop  }
0x6: {  	_ = 	snop  }
0x7: {  	_ = 	snop  }
__scs_overlays_trampoline_lowered:
0x8: {  	[smem:$0x3FAC] =	sst s0  }
0x9: {  	[smem:$0x3FAD] =	sst s1  }
0xa: {  	[smem:$0x3FAE] =	sst s2  }
0xb: {  	[smem:$0x3FAF] =	sst s3  }
0xc: {  	[smem:$0x3FB0] =	sst s4  }
0xd: {  	[smem:$0x3FB1] =	sst s5  }
0xe: {  	[smem:$0x3FB2] =	sst s6  }
0xf: {  	[smem:$0x3FB3] =	sst s7  }
0x10: {  	[smem:$0x3FB4] =	sst s8  }
0x11: {  	[smem:$0x3FB5] =	sst s9;
	s0 =	simm.s32 @!p0 $0x0  }
0x12: {  	s1 =	sld [smem:$0x3F9B];
	s0 =	simm.s32 @p0 $0x1  }
0x13: {  	[smem:$0x3FB6] =	sst s0;
	s0 =	simm.s32 @!p1 $0x0  }
0x14: {  	s2 =	sld [smem:$0x3F9A];
	s0 =	simm.s32 @p1 $0x1  }
0x15: {  	[smem:$0x3FB7] =	sst s0;
	s0 =	simm.s32 @!p2 $0x0  }
0x16: {  	s3 =	sld [smem:$0x3FDB];
	s0 =	simm.s32 @p2 $0x1  }
0x17: {  	s4 =	simm.s32 $0x1BF5;
	[smem:$0x3FB9] =	sst s0  }
0x18: {  	s0 =	sld [smem:$0x3F9C];
	_ =	swait.ge [sflag:s4], $0x0  }
0x19: {  	s7 =	sld [smem:$0x3F9D]  }
0x1a: {  	s8 =	sadd.s32 $0xFFFFE003, lr  }
0x1b: {  	s9 =	sadd.s32 $0xFFFFFEF7, lr;
	s5 =	simm.s32 $0xFFFFFFFF;
	p2 =	slt.u32 s8, $0xFFFFF086  }
0x1c: {  	p1 =	slt.u32 s9, $0xF7A;
	s5 =	simm.s32 @!p2 $0x0  }
0x1d: {  	s5 =	simm.s32 @p1 $0x1;
	p0 =	seq.s32 s7, s2  }
0x1e: {  	s7 =	smul.u32 @!p0 $0xF7A, s2;
	p2 =	seq.s32 @!p0 s5, $0x0  }
0x1f: {  	s9 =	smul.u32 $0xF7A, s1;
	s8 =	simm.s32 @!p0 $0x1BF5;
	p2 =	por !p2, p0  }
0x20: {  	[sflag:s8] =	ssyncset.s32 @!p0 $0xFFFFF086;
	s6 =	sadd.s32 @!p0 s3, s7;
	s7 =	simm.s32 @!p0 $0x108  }
0x21: {  	s3 =	sadd.s32 s3, s9;
	s6 =	sadd.s32 @!p0 $0x88, s6;
	s7 =	simm.s32 @p2 $0x1082  }
0x22: {  	[simem:s7], [sflag:s8] =	dma.local @!p0 [hbm:s6], $0xF7A  }
0x23: {  	s9 =	sor.u32 $0xD0000000, s2;
	s6 =	simm.s32 $0x108;
	_ =	swait.ge @!p0 [sflag:s8], $0x0  }
0x24: {  	s3 =	sadd.s32 $0x88, s3;
	s6 =	simm.s32 @!p1 $0x1082;
	[sflag:s4] =	ssyncset.s32 $0xFFFFF086  }
0x25: {  	[simem:s6], [sflag:s4] =	dma.local [hbm:s3], $0xF7A  }
0x26: {  	[smem:$0x3F9D] =	sst s1;
	(tag) =	ssettag s2;
	_ =	strace s9  }
0x27: {  	s1 =	sld [smem:$0x3FAD]  }
0x28: {  	s2 =	sld [smem:$0x3FAE]  }
0x29: {  	s4 =	sld [smem:$0x3FB0]  }
0x2a: {  	p0 =	seq.s32 s5, $0x0;
	s5 =	sld [smem:$0x3FB1]  }
0x2b: {  	s6 =	sld [smem:$0x3FB2]  }
0x2c: {  	s7 =	sld [smem:$0x3FB3]  }
0x2d: {  	s3 =	simm.s32 $0x108;
	s8 =	sld [smem:$0x3FB4]  }
0x2e: {  	s3 =	simm.s32 @!p0 $0x1082;
	s9 =	sld [smem:$0x3FB5]  }
0x2f: {  	lr =	sadd.s32 s0, s3;
	s0 =	sld [smem:$0x3FAC]  }
0x30: {  	s3 =	sld [smem:$0x3FAF]  }
0x31: {  	[smem:$0x3FB8] =	sst s10  }
0x32: {  	s10 =	sld [smem:$0x3FB6];
	_ =	sdelay $0x3  }
0x33: {  	p0 =	seq.s32 s10, $0x1;
	s10 =	sld [smem:$0x3FB8];
	_ =	sdelay $0x3  }
0x34: {  	[smem:$0x3FB8] =	sst s10  }
0x35: {  	s10 =	sld [smem:$0x3FB7];
	_ =	sdelay $0x3  }
0x36: {  	p1 =	seq.s32 s10, $0x1;
	s10 =	sld [smem:$0x3FB8];
	_ =	sdelay $0x3  }
0x37: {  	[smem:$0x3FB8] =	sst s10  }
0x38: {  	s10 =	sld [smem:$0x3FB9]  }
0x39: {  	_ = 	snop;
	(pc) =	sbr.ind lr, $3  }
0x3a: {  	_ = 	snop  }
0x3b: {  	_ = 	snop  }
0x3c: {  	p2 =	seq.s32 s10, $0x1;
	s10 =	sld [smem:$0x3FB8]  }
0x3d: {  	_ =	shalt  }
0x3e: {  	_ =	shalt  }
0x3f: {  	_ =	shalt  }
0x40: {  	_ =	shalt  }
0x41: {  	_ =	shalt  }
0x42: {  	_ =	shalt  }
0x43: {  	_ =	shalt  }
0x44: {  	_ =	shalt  }
0x45: {  	_ =	shalt  }
0x46: {  	_ =	shalt  }
0x47: {  	_ =	shalt  }
0x48: {  	_ =	shalt  }
0x49: {  	_ =	shalt  }
0x4a: {  	_ =	shalt  }
0x4b: {  	_ =	shalt  }
0x4c: {  	_ =	shalt  }
0x4d: {  	_ =	shalt  }
0x4e: {  	_ =	shalt  }
0x4f: {  	_ =	shalt  }
0x50: {  	_ =	shalt  }
0x51: {  	_ =	shalt  }
0x52: {  	_ =	shalt  }
0x53: {  	_ =	shalt  }
0x54: {  	_ =	shalt  }
0x55: {  	_ =	shalt  }
0x56: {  	_ =	shalt  }
0x57: {  	_ =	shalt  }
0x58: {  	_ =	shalt  }
0x59: {  	_ =	shalt  }
0x5a: {  	_ =	shalt  }
0x5b: {  	_ =	shalt  }
0x5c: {  	_ =	shalt  }
0x5d: {  	_ =	shalt  }
0x5e: {  	_ =	shalt  }
0x5f: {  	_ =	shalt  }
0x60: {  	_ =	shalt  }
0x61: {  	_ =	shalt  }
0x62: {  	_ =	shalt  }
0x63: {  	_ =	shalt  }
0x64: {  	_ =	shalt  }
0x65: {  	_ =	shalt  }
0x66: {  	_ =	shalt  }
0x67: {  	_ =	shalt  }
0x68: {  	_ =	shalt  }
0x69: {  	_ =	shalt  }
0x6a: {  	_ =	shalt  }
0x6b: {  	_ =	shalt  }
0x6c: {  	_ =	shalt  }
0x6d: {  	_ =	shalt  }
0x6e: {  	_ =	shalt  }
0x6f: {  	_ =	shalt  }
0x70: {  	_ =	shalt  }
0x71: {  	_ =	shalt  }
0x72: {  	_ =	shalt  }
0x73: {  	_ =	shalt  }
0x74: {  	_ =	shalt  }
0x75: {  	_ =	shalt  }
0x76: {  	_ =	shalt  }
0x77: {  	_ =	shalt  }
0x78: {  	_ =	shalt  }
0x79: {  	_ =	shalt  }
0x7a: {  	_ =	shalt  }
0x7b: {  	_ =	shalt  }
0x7c: {  	_ =	shalt  }
0x7d: {  	_ =	shalt  }
0x7e: {  	_ =	shalt  }
0x7f: {  	_ =	shalt  }
0x80: {  	_ =	shalt  }
0x81: {  	_ =	shalt  }
0x82: {  	_ =	shalt  }
0x83: {  	_ =	shalt  }
0x84: {  	_ =	shalt  }
0x85: {  	_ =	shalt  }
0x86: {  	_ =	shalt  }
0x87: {  	_ =	shalt  }
.Lfunc_end0:
.L_simem_size_0:
called_computation_lowered:
.L_overlay_start_0:
0x88: {  	s2 =	sld [smem:$0x3FD9]  }
0x89: {  	s3 =	sld [smem:$0x3FFE];
	_ =	sdelay $0x1  }
0x8a: {  	s1 =	srdreg.scid  }
0x8b: {  	s0 =	sand.u32 $0x1, s1  }
0x8c: {  	s17 =	sshll.u32 s0, $0xA;
	s2 =	sadd.s32 s3, s2  }
0x8d: {  	s2 =	sadd.s32 s2, s17  }
0x8e: {  	[smem:$0x3FC4] =	sst s2  }
0x8f: {  	_ = 	snop  }
0x90: {  	s2 =	sld [smem:$0x3FC9]  }
0x91: {  	s18 =	sld [smem:$0x3FC8]  }
0x92: {  	s4 =	sld [smem:$0x3FD0];
	(tm) =	ssettm $0x1  }
0x93: {  	s5 =	sld [smem:$0x3FFB];
	_ =	sdelay $0x3  }
0x94: {  	_ =	strace s5  }
0x95: {  	s5 =	sld [smem:$0x3FFC];
	_ =	sdelay $0x3  }
0x96: {  	_ =	strace s5  }
0x97: {  	s5 =	sld [smem:$0x3FFD];
	_ =	sdelay $0x3  }
0x98: {  	_ =	strace s5  }
0x99: {  	_ =	strace $0x8FFFFFFF  }
0x9a: {  	s19 =	sld [smem:$0x3FDB];
	_ =	sdelay $0x1  }
0x9b: {  	s6 =	simm.s32 $_scs_section_size  }
0x9c: {  	s7 =	simm.s32 $_size__tile_overlayer_lowered;
	s8 =	simm.s32 $_tile_overlayer_lowered  }
0x9d: {  	s22 =	simm.s32 $0x1BFF;
	s21 =	sshll.u32 s8, $0x1;
	s5 =	sadd.s32 s6, s19  }
0x9e: {  	s9 =	simm.s32 $0x0;
	s20 =	sshll.u32 s7, $0x1;
	s7 =	sadd.s32 s21, s5  }
0x9f: {  	[timem:s9], [sflag:s22] =	dma.local [hbm:s7], s20  }
0xa0: {  	_ =	swait.ge [sflag:s22], s20  }
0xa1: {  	s6 =	ssub.s32 $0x0, s20;
	[sflag:s22] =	ssyncset.done $0x0  }
0xa2: {  	[sflag:s22] =	ssyncadd.s32 s6;
	_ =	sdelay $0x1  }
0xa3: {  	s23 =	simm.s32 $0x1B8B  }
0xa4: {  	_ =	swait.ge [sflag:s23], $0x1  }
0xa5: {  	[sflag:s23] =	ssyncset.done $0x0  }
0xa6: {  	s25 =	simm.s32 $0x1B8E;
	s24 =	sld [smem:$0x3FFE];
	[sflag:s23] =	ssyncadd.s32 $0xFFFFFFFF  }
0xa7: {  	s26 =	simm.s32 $execute0_lowered;
	[smem:$0x3FD2] =	sst s25  }
0xa8: {  	s7 =	sshll.u32 s26, $0x1;
	_ =	strace $0x80000046;
	[dreg:$0x1] =	wrdreg $0xFFFFFFFF  }
0xa9: {  	s28 =	simm.s32 $_size_execute0_lowered;
	s5 =	sadd.s32 s5, s7;
	[dreg:$0x0] =	wrdreg $0x0  }
0xaa: {  	s7 =	sshll.u32 s28, $0x1;
	[dreg:$0x2] =	wrdreg s5  }
0xab: {  	[dreg:$0x3] =	wrdreg s7  }
0xac: {  	[dreg:$0x4] =	wrdreg $0xC0  }
0xad: {  	_ =	task [dreg:s9], $0x5FFFF  }
0xae: {  	[dreg:$0x1] =	wrdreg $0xFFFFFFFF  }
0xaf: {  	[dreg:$0x0] =	wrdreg $0x60  }
0xb0: {  	[dreg:$0x2] =	wrdreg s2  }
0xb1: {  	[dreg:$0x3] =	wrdreg s18  }
0xb2: {  	[dreg:$0x4] =	wrdreg s24  }
0xb3: {  	[dreg:$0x5] =	wrdreg s4  }
0xb4: {  	[dreg:$0x6] =	wrdreg $0x9  }
0xb5: {  	_ =	task.clear_ibuf [dreg:s9], $0x7FFFF;
	_ =	strace $0x90000046  }
0xb6: {  	s29 =	simm.s32 $0x9;
	_ =	strace $0x80000048  }
0xb7: {  	_ =	swait.ge [sflag:s29], $0x1  }
0xb8: {  	[sflag:s29] =	ssyncadd.s32 $0xFFFFFFFF  }
0xb9: {  	_ =	strace $0x90000048  }
0xba: {  	_ =	sfence  }
0xbb: {  	s30 =	sld [smem:$0x0];
	_ =	sdelay $0x2  }
0xbc: {  	s31 =	sshll.u32 s1, $0xD;
	s1 =	sshrl.u32 s1, $0x2  }
0xbd: {  	s3 =	sand.u32 $0x4000, s31;
	s1 =	sadd.s32 s1, s30  }
0xbe: {  	s0 =	sor.u32 s3, s0;
	s1 =	sshll.u32 s1, $0x11  }
0xbf: {  	s0 =	sor.u32 s1, s0  }
0xc0: {  	s0 =	sadd.s32 $0x8F2B, s0  }
0xc1: {  	[sflag:s0] =	ssyncadd.remote.s32 $0x1  }
0xc2: {  	_ =	sfence.sel $0xFFFF  }
0xc3: {  	[dreg:$0x0] =	wrdreg $0xFFFFFFFF;
	(pc) =	sbr.abs _section_cstart, $3  }
0xc4: {  	[dreg:$0x1] =	wrdreg $0xFFFFFFFF  }
0xc5: {  	_ =	task.clear_ibuf [dreg:s9], $0x2FFFF;
	_ =	strace $0x9FFFFFFF  }
0xc6: {  	(tm) =	ssettm $0x7FFFFFFF  }
0xc7: {  	_ =	shalt  }
tec
execute0_lowered:
.L_overlay_start_1:
0x0: {  	(tag) =	ssettag $0x1  }
0x1: {  	s0 =	rddreg [dreg:$0x0]  }
0x2: {  	s1 =	rddreg [dreg:$0x1]  }
0x3: {  	s4 =	rddreg [dreg:$0x2]  }
0x4: {  	s7 =	rddreg [dreg:$0x3]  }
0x5: {  	s2 =	simm.s32 $0x0;
	s3 =	srdreg.scid;
	s6 =	stileid.u32  }
0x6: {  	s10 =	simm.s32 $0x200;
	s11 =	simm.s32 $0x80;
	s12 =	simm.s32 $0x400  }
0x7: {  	s13 =	simm.s32 $0x4400;
	s14 =	simm.s32 $0x1400;
	s15 =	simm.s32 $0x280  }
0x8: {  	s16 =	simm.s32 $0x5400;
	s17 =	simm.s32 $0x100;
	s18 =	simm.s32 $0x2400  }
0x9: {  	s19 =	simm.s32 $0x300;
	s20 =	simm.s32 $0x6400;
	s21 =	simm.s32 $0x180  }
0xa: {  	s22 =	simm.s32 $0x3400;
	s23 =	simm.s32 $0x380;
	s24 =	simm.s32 $0x7400  }
0xb: {  	s25 =	simm.s32 $0x1;
	s26 =	simm.s32 $0x2;
	s28 =	simm.s32 $0x8400  }
0xc: {  	s29 =	simm.s32 $0xA400;
	s30 =	simm.s32 $0x0;
	[smem:$0x7FF] =	sst s2  }
0xd: {  	s3 =	sand.u32 $0x1, s3;
	s6 =	sshll.u32 s6, $0x7;
	_ =	strace $0x80000047  }
0xe: {  	s5 =	ssub.s32 $0x2, s3;
	s8 =	sshll.u32 s3, $0x6;
	s3 =	sadd.s32 $0xF42A00, s4  }
0xf: {  	v0 =	vlaneseq.u32;
	s4 =	sadd.s32 $0x187000, s4;
	s9 =	sshrl.u32 s5, $0x1;
	s8 =	sor.u32 s8, s6  }
0x10: {  	v0 =	vmul.u32 $0x10, v0;
	s9 =	ssub.s32 s5, s9;
	s5 =	sadd.s32 s0, s8;
	s6 =	sadd.s32 s1, s8  }
0x11: {  	s7 =	sadd.s32 s7, s8;
	s8 =	smax.u32 s9, $0x1;
	s9 =	simm.s32 $0x3  }
.LBB2_1:
0x12: {  	[tilespmem:s2], [sflag:$0x3] =	stream.linear.gather [hbm4b:s5+s2], $0x200, $0x38;
	[tilespmem:$0xA600] =	vst v63  }
0x13: {  	_ =	swait.ge [sflag:s9], $0x200  }
0x14: {  	[sflag:s9] =	ssyncset.done $0x0  }
0x15: {  	[sflag:s9] =	ssyncadd.s32 $0xFFFFFE00  }
0x16: {  	[tilespmem:s10], [sflag:$0x3] =	stream.linear.gather [hbm4b:s6+s2], $0x200, $0x38;
	[tilespmem:$0xA600] =	vst v63  }
0x17: {  	_ =	swait.ge [sflag:s9], $0x200  }
0x18: {  	[sflag:s9] =	ssyncset.done $0x0  }
0x19: {  	[sflag:s9] =	ssyncadd.s32 $0xFFFFFE00  }
0x1a: {  	[tilespmem:s12], [sflag:$0x1] =	stream.indirect.gather [hbm4b:s3+s11], $0x20, s2, s11, $0xb8;
	[tilespmem:$0xA600] =	vst v63  }
0x1b: {  	_ = 	snop  }
0x1c: {  	[tilespmem:s13], [sflag:$0x2] =	stream.indirect.gather [hbm4b:s4+s11], $0x20, s10, s11, $0xb8;
	[tilespmem:$0xA600] =	vst v63  }
0x1d: {  	_ = 	snop  }
0x1e: {  	[tilespmem:s14], [sflag:$0x1] =	stream.indirect.gather [hbm4b:s3+s11], $0x20, s11, s11, $0xb8;
	[tilespmem:$0xA600] =	vst v63  }
0x1f: {  	_ = 	snop  }
0x20: {  	[tilespmem:s16], [sflag:$0x2] =	stream.indirect.gather [hbm4b:s4+s11], $0x20, s15, s11, $0xb8;
	[tilespmem:$0xA600] =	vst v63  }
0x21: {  	_ = 	snop  }
0x22: {  	[tilespmem:s18], [sflag:$0x1] =	stream.indirect.gather [hbm4b:s3+s11], $0x20, s17, s11, $0xb8;
	[tilespmem:$0xA600] =	vst v63  }
0x23: {  	_ = 	snop  }
0x24: {  	[tilespmem:s20], [sflag:$0x2] =	stream.indirect.gather [hbm4b:s4+s11], $0x20, s19, s11, $0xb8;
	[tilespmem:$0xA600] =	vst v63  }
0x25: {  	_ = 	snop  }
0x26: {  	[tilespmem:s22], [sflag:$0x1] =	stream.indirect.gather [hbm4b:s3+s11], $0x20, s21, s11, $0xb8;
	[tilespmem:$0xA600] =	vst v63  }
0x27: {  	_ = 	snop  }
0x28: {  	[tilespmem:s24], [sflag:$0x2] =	stream.indirect.gather [hbm4b:s4+s11], $0x20, s23, s11, $0xb8;
	[tilespmem:$0xA600] =	vst v63  }
0x29: {  	_ =	swait.ge [sflag:s25], $0x1000  }
0x2a: {  	[sflag:s25] =	ssyncset.done $0x0  }
0x2b: {  	[sflag:s25] =	ssyncadd.s32 $0xFFFFF000  }
0x2c: {  	_ =	swait.ge [sflag:s26], $0x1000  }
0x2d: {  	[sflag:s26] =	ssyncset.done $0x0  }
0x2e: {  	[sflag:s26] =	ssyncadd.s32 $0xFFFFF000  }
0x2f: {  	_ =	swait.ge [sflag:s25], $0x1000  }
0x30: {  	[sflag:s25] =	ssyncset.done $0x0  }
0x31: {  	[sflag:s25] =	ssyncadd.s32 $0xFFFFF000  }
0x32: {  	_ =	swait.ge [sflag:s26], $0x1000  }
0x33: {  	[sflag:s26] =	ssyncset.done $0x0  }
0x34: {  	[sflag:s26] =	ssyncadd.s32 $0xFFFFF000  }
0x35: {  	_ =	swait.ge [sflag:s25], $0x1000  }
0x36: {  	[sflag:s25] =	ssyncset.done $0x0  }
0x37: {  	[sflag:s25] =	ssyncadd.s32 $0xFFFFF000  }
0x38: {  	_ =	swait.ge [sflag:s26], $0x1000  }
0x39: {  	[sflag:s26] =	ssyncset.done $0x0  }
0x3a: {  	[sflag:s26] =	ssyncadd.s32 $0xFFFFF000  }
0x3b: {  	_ =	swait.ge [sflag:s25], $0x1000  }
0x3c: {  	[sflag:s25] =	ssyncset.done $0x0  }
0x3d: {  	[sflag:s25] =	ssyncadd.s32 $0xFFFFF000  }
0x3e: {  	_ =	swait.ge [sflag:s26], $0x1000  }
0x3f: {  	[sflag:s26] =	ssyncset.done $0x0  }
0x40: {  	s0 =	simm.s32 $0x0;
	[sflag:s26] =	ssyncadd.s32 $0xFFFFF000  }
0x41: {  	v1 =	vld [tilespmem:s0+$0x4400]  }
0x42: {  	v2 =	vld [tilespmem:s0+$0x400]  }
0x43: {  	v3 =	vld [tilespmem:s0+$0x410]  }
0x44: {  	v4 =	vld [tilespmem:s0+$0x4410];
	_ =	sdelay $0x4  }
0x45: {  	v1 =	vmul.f32 v1, v2;
	v2 =	vmul.f32 v4, v3;
	_ =	sdelay $0x1  }
0x46: {  	v1 =	vadd.f32 v2, v1;
	_ =	sdelay $0x1  }
0x47: {  	s1 =	simm.s32 $0x20;
	[tilespmem:s28+$0x0] =	vst v1  }
0x48: {  	v1 =	vld [tilespmem:s1+$0x4400]  }
0x49: {  	v2 =	vld [tilespmem:s1+$0x400]  }
0x4a: {  	s31 =	simm.s32 $0x100;
	s0 =	simm.s32 $0x8400;
	v3 =	vld [tilespmem:s1+$0x410]  }
.LBB2_2:
0x4b: {  	p0 =	sne.s32 s31, $0xFF80;
	v4 =	vld [tilespmem:s1+$0x4410];
	_ =	sdelay $0x4  }
0x4c: {  	v1 =	vmul.f32 v1, v2;
	v2 =	vmul.f32 v4, v3;
	_ =	sdelay $0x1  }
0x4d: {  	v1 =	vadd.f32 v2, v1  }
.Ltmp0:
0x4e: {  	s0 =	sadd.s32 $0x10, s0;
	(pc) =	sbr.rel @p0 .LBB2_2-.Ltmp0, $4  }
0x4f: {  	s1 =	sshra.s32 s31, $0x2;
	[tilespmem:s0+$0x0] =	vst v1  }
0x50: {  	v1 =	vld [tilespmem:s1+$0x4400]  }
0x51: {  	v2 =	vld [tilespmem:s1+$0x400]  }
0x52: {  	s31 =	sadd.s32 $0x80, s31;
	v3 =	vld [tilespmem:s1+$0x410]  }
0x53: {  	v4 =	vld [tilespmem:s1+$0x4410]  }
0x54: {  	s1 =	simm.s32 $0x0  }
0x55: {  	v5 =	vmov s1  }
0x56: {  	v5 =	vshll.u32 v5, $0x4  }
0x57: {  	v5 =	vor.u32 v0, v5  }
0x58: {  	v1 =	vmul.f32 v1, v2;
	v2 =	vmul.f32 v4, v3;
	v3 =	vor.u32 $0x1, v5;
	_ =	sdelay $0x1  }
0x59: {  	v1 =	vadd.f32 v2, v1  }
0x5a: {  	s0 =	sadd.s32 $0x10, s0;
	v2 =	vor.u32 $0x2, v5  }
0x5b: {  	[tilespmem:s0+$0x0] =	vst v1  }
0x5c: {  	v1 =	vld.idx.msk [tilespmem:v3+s28+$0x0], $0xffff;
	v3 =	vor.u32 $0x3, v5  }
0x5d: {  	v4 =	vld.idx.msk [tilespmem:v5+s28+$0x0], $0xffff  }
0x5e: {  	v6 =	vor.u32 $0x4, v5  }
0x5f: {  	v2 =	vld.idx.msk [tilespmem:v2+s28+$0x0], $0xffff  }
0x60: {  	v7 =	vor.u32 $0x5, v5  }
0x61: {  	v3 =	vld.idx.msk [tilespmem:v3+s28+$0x0], $0xffff  }
0x62: {  	v8 =	vor.u32 $0x6, v5;
	v1 =	vadd.f32 v1, v4  }
0x63: {  	v4 =	vld.idx.msk [tilespmem:v6+s28+$0x0], $0xffff  }
0x64: {  	v6 =	vor.u32 $0x7, v5;
	v1 =	vadd.f32 v2, v1  }
0x65: {  	v2 =	vld.idx.msk [tilespmem:v7+s28+$0x0], $0xffff  }
0x66: {  	v7 =	vor.u32 $0x8, v5;
	v1 =	vadd.f32 v3, v1  }
0x67: {  	v3 =	vld.idx.msk [tilespmem:v8+s28+$0x0], $0xffff  }
0x68: {  	v59 =	vor.u32 $0x9, v5;
	v1 =	vadd.f32 v4, v1  }
0x69: {  	v4 =	vld.idx.msk [tilespmem:v6+s28+$0x0], $0xffff  }
0x6a: {  	v6 =	vor.u32 $0xA, v5;
	v1 =	vadd.f32 v2, v1  }
0x6b: {  	v2 =	vld.idx.msk [tilespmem:v7+s28+$0x0], $0xffff  }
0x6c: {  	v7 =	vor.u32 $0xB, v5;
	v1 =	vadd.f32 v3, v1  }
0x6d: {  	v3 =	vld.idx.msk [tilespmem:v59+s28+$0x0], $0xffff  }
0x6e: {  	v60 =	vor.u32 $0xC, v5;
	v1 =	vadd.f32 v4, v1  }
0x6f: {  	v4 =	vld.idx.msk [tilespmem:v6+s28+$0x0], $0xffff  }
0x70: {  	v6 =	vor.u32 $0xD, v5;
	v1 =	vadd.f32 v2, v1  }
0x71: {  	v2 =	vld.idx.msk [tilespmem:v7+s28+$0x0], $0xffff  }
0x72: {  	v7 =	vor.u32 $0xE, v5;
	v1 =	vadd.f32 v3, v1  }
0x73: {  	v3 =	vld.idx.msk [tilespmem:v60+s28+$0x0], $0xffff  }
0x74: {  	v5 =	vor.u32 $0xF, v5;
	v1 =	vadd.f32 v4, v1  }
0x75: {  	v4 =	vld.idx.msk [tilespmem:v6+s28+$0x0], $0xffff  }
0x76: {  	v1 =	vadd.f32 v2, v1  }
0x77: {  	v2 =	vld.idx.msk [tilespmem:v7+s28+$0x0], $0xffff  }
0x78: {  	s1 =	simm.s32 $0x10;
	v1 =	vadd.f32 v3, v1  }
0x79: {  	v3 =	vld.idx.msk [tilespmem:v5+s28+$0x0], $0xffff;
	v5 =	vmov s1  }
0x7a: {  	v5 =	vshll.u32 v5, $0x4;
	v1 =	vadd.f32 v4, v1  }
0x7b: {  	v4 =	vor.u32 v0, v5  }
0x7c: {  	v5 =	vor.u32 $0x1, v4;
	v1 =	vadd.f32 v2, v1;
	_ =	sdelay $0x1  }
0x7d: {  	v1 =	vadd.f32 v3, v1  }
0x7e: {  	s31 =	simm.s32 $0xA400;
	v2 =	vor.u32 $0x2, v4  }
0x7f: {  	[tilespmem:s31+$0x0] =	vst v1  }
0x80: {  	v3 =	vor.u32 $0x3, v4;
	v1 =	vld.idx.msk [tilespmem:v5+s28+$0x0], $0xffff  }
0x81: {  	v5 =	vld.idx.msk [tilespmem:v4+s28+$0x0], $0xffff  }
0x82: {  	v6 =	vor.u32 $0x4, v4  }
0x83: {  	v2 =	vld.idx.msk [tilespmem:v2+s28+$0x0], $0xffff  }
0x84: {  	v7 =	vor.u32 $0x5, v4  }
0x85: {  	v3 =	vld.idx.msk [tilespmem:v3+s28+$0x0], $0xffff  }
0x86: {  	v61 =	vor.u32 $0x6, v4;
	v1 =	vadd.f32 v1, v5  }
0x87: {  	v5 =	vld.idx.msk [tilespmem:v6+s28+$0x0], $0xffff  }
0x88: {  	v6 =	vor.u32 $0x7, v4;
	v1 =	vadd.f32 v2, v1  }
0x89: {  	v2 =	vld.idx.msk [tilespmem:v7+s28+$0x0], $0xffff  }
0x8a: {  	v7 =	vor.u32 $0x8, v4;
	v1 =	vadd.f32 v3, v1  }
0x8b: {  	v3 =	vld.idx.msk [tilespmem:v61+s28+$0x0], $0xffff  }
0x8c: {  	v62 =	vor.u32 $0x9, v4;
	v1 =	vadd.f32 v5, v1  }
0x8d: {  	v5 =	vld.idx.msk [tilespmem:v6+s28+$0x0], $0xffff  }
0x8e: {  	v6 =	vor.u32 $0xA, v4;
	v1 =	vadd.f32 v2, v1  }
0x8f: {  	v2 =	vld.idx.msk [tilespmem:v7+s28+$0x0], $0xffff  }
0x90: {  	v7 =	vor.u32 $0xB, v4;
	v1 =	vadd.f32 v3, v1  }
0x91: {  	v3 =	vld.idx.msk [tilespmem:v62+s28+$0x0], $0xffff  }
0x92: {  	v63 =	vor.u32 $0xC, v4;
	v1 =	vadd.f32 v5, v1  }
0x93: {  	v5 =	vld.idx.msk [tilespmem:v6+s28+$0x0], $0xffff  }
0x94: {  	v1 =	vadd.f32 v2, v1  }
0x95: {  	v6 =	vor.u32 $0xD, v4;
	v2 =	vld.idx.msk [tilespmem:v7+s28+$0x0], $0xffff  }
0x96: {  	v1 =	vadd.f32 v3, v1  }
0x97: {  	v7 =	vor.u32 $0xE, v4;
	v3 =	vld.idx.msk [tilespmem:v63+s28+$0x0], $0xffff  }
0x98: {  	v1 =	vadd.f32 v5, v1  }
0x99: {  	v4 =	vor.u32 $0xF, v4  }
0x9a: {  	v5 =	vld.idx.msk [tilespmem:v6+s28+$0x0], $0xffff;
	v1 =	vadd.f32 v2, v1;
	_ =	sdelay $0x1  }
0x9b: {  	v3 =	vadd.f32 v3, v1;
	v1 =	vld.idx.msk [tilespmem:v7+s28+$0x0], $0xffff  }
0x9c: {  	s1 =	simm.s32 $0x20  }
0x9d: {  	v6 =	vmov s1;
	v2 =	vld.idx.msk [tilespmem:v4+s28+$0x0], $0xffff  }
0x9e: {  	s0 =	simm.s32 $0x30;
	v4 =	vshll.u32 v6, $0x4;
	v3 =	vadd.f32 v5, v3  }
.LBB2_4:
0x9f: {  	p0 =	sne.s32 s0, $0x1F0;
	v4 =	vor.u32 v0, v4  }
0xa0: {  	v5 =	vor.u32 $0x1, v4;
	v1 =	vadd.f32 v1, v3;
	_ =	sdelay $0x1  }
0xa1: {  	v1 =	vadd.f32 v2, v1  }
0xa2: {  	s31 =	sadd.s32 $0x10, s31;
	v2 =	vor.u32 $0x2, v4  }
0xa3: {  	[tilespmem:s31+$0x0] =	vst v1  }
0xa4: {  	v3 =	vor.u32 $0x3, v4;
	v1 =	vld.idx.msk [tilespmem:v5+s28+$0x0], $0xffff  }
0xa5: {  	v5 =	vld.idx.msk [tilespmem:v4+s28+$0x0], $0xffff  }
0xa6: {  	v6 =	vor.u32 $0x4, v4  }
0xa7: {  	v2 =	vld.idx.msk [tilespmem:v2+s28+$0x0], $0xffff  }
0xa8: {  	v7 =	vor.u32 $0x5, v4  }
0xa9: {  	v3 =	vld.idx.msk [tilespmem:v3+s28+$0x0], $0xffff  }
0xaa: {  	v8 =	vor.u32 $0x6, v4  }
0xab: {  	v1 =	vadd.f32 v1, v5;
	v5 =	vld.idx.msk [tilespmem:v6+s28+$0x0], $0xffff  }
0xac: {  	v6 =	vor.u32 $0x7, v4  }
0xad: {  	v1 =	vadd.f32 v2, v1;
	v2 =	vld.idx.msk [tilespmem:v7+s28+$0x0], $0xffff  }
0xae: {  	v7 =	vor.u32 $0x8, v4  }
0xaf: {  	v1 =	vadd.f32 v3, v1;
	v3 =	vld.idx.msk [tilespmem:v8+s28+$0x0], $0xffff  }
0xb0: {  	v8 =	vor.u32 $0x9, v4  }
0xb1: {  	v1 =	vadd.f32 v5, v1;
	v5 =	vld.idx.msk [tilespmem:v6+s28+$0x0], $0xffff  }
0xb2: {  	v6 =	vor.u32 $0xA, v4  }
0xb3: {  	v1 =	vadd.f32 v2, v1;
	v2 =	vld.idx.msk [tilespmem:v7+s28+$0x0], $0xffff  }
0xb4: {  	v7 =	vor.u32 $0xB, v4  }
0xb5: {  	v1 =	vadd.f32 v3, v1;
	v3 =	vld.idx.msk [tilespmem:v8+s28+$0x0], $0xffff  }
0xb6: {  	v8 =	vor.u32 $0xC, v4  }
0xb7: {  	v1 =	vadd.f32 v5, v1;
	v5 =	vld.idx.msk [tilespmem:v6+s28+$0x0], $0xffff  }
0xb8: {  	v6 =	vor.u32 $0xD, v4  }
0xb9: {  	v1 =	vadd.f32 v2, v1;
	v2 =	vld.idx.msk [tilespmem:v7+s28+$0x0], $0xffff  }
0xba: {  	v7 =	vor.u32 $0xE, v4  }
0xbb: {  	v1 =	vadd.f32 v3, v1;
	v3 =	vld.idx.msk [tilespmem:v8+s28+$0x0], $0xffff  }
0xbc: {  	v4 =	vor.u32 $0xF, v4  }
0xbd: {  	v1 =	vadd.f32 v5, v1;
	v5 =	vld.idx.msk [tilespmem:v6+s28+$0x0], $0xffff;
	_ =	sdelay $0x1  }
.Ltmp1:
0xbe: {  	v2 =	vadd.f32 v2, v1;
	v1 =	vld.idx.msk [tilespmem:v7+s28+$0x0], $0xffff;
	(pc) =	sbr.rel @p0 .LBB2_4-.Ltmp1, $4  }
0xbf: {  	_ = 	snop  }
0xc0: {  	v3 =	vadd.f32 v3, v2;
	v2 =	vld.idx.msk [tilespmem:v4+s28+$0x0], $0xffff  }
0xc1: {  	v4 =	vmov s0  }
0xc2: {  	s0 =	sadd.s32 $0x10, s0;
	v4 =	vshll.u32 v4, $0x4;
	v3 =	vadd.f32 v5, v3  }
0xc3: {  	v4 =	vor.u32 v0, v4  }
0xc4: {  	v5 =	vor.u32 $0x1, v4;
	v1 =	vadd.f32 v1, v3;
	_ =	sdelay $0x1  }
0xc5: {  	v1 =	vadd.f32 v2, v1  }
0xc6: {  	s0 =	sadd.s32 $0x10, s31;
	v2 =	vor.u32 $0x2, v4  }
0xc7: {  	[tilespmem:s0+$0x0] =	vst v1  }
0xc8: {  	v3 =	vor.u32 $0x3, v4;
	v1 =	vld.idx.msk [tilespmem:v5+s28+$0x0], $0xffff  }
0xc9: {  	v51 =	vld.idx.msk [tilespmem:v4+s28+$0x0], $0xffff  }
0xca: {  	v6 =	vor.u32 $0x4, v4  }
0xcb: {  	v2 =	vld.idx.msk [tilespmem:v2+s28+$0x0], $0xffff  }
0xcc: {  	v7 =	vor.u32 $0x5, v4  }
0xcd: {  	v3 =	vld.idx.msk [tilespmem:v3+s28+$0x0], $0xffff  }
0xce: {  	v8 =	vor.u32 $0x6, v4;
	v1 =	vadd.f32 v1, v51  }
0xcf: {  	v52 =	vld.idx.msk [tilespmem:v6+s28+$0x0], $0xffff  }
0xd0: {  	v53 =	vor.u32 $0x7, v4;
	v1 =	vadd.f32 v2, v1  }
0xd1: {  	v2 =	vld.idx.msk [tilespmem:v7+s28+$0x0], $0xffff  }
0xd2: {  	v54 =	vor.u32 $0x8, v4;
	v1 =	vadd.f32 v3, v1  }
0xd3: {  	v3 =	vld.idx.msk [tilespmem:v8+s28+$0x0], $0xffff  }
0xd4: {  	v55 =	vor.u32 $0x9, v4;
	v1 =	vadd.f32 v52, v1  }
0xd5: {  	v56 =	vld.idx.msk [tilespmem:v53+s28+$0x0], $0xffff  }
0xd6: {  	v57 =	vor.u32 $0xA, v4;
	v1 =	vadd.f32 v2, v1  }
0xd7: {  	v2 =	vld.idx.msk [tilespmem:v54+s28+$0x0], $0xffff  }
0xd8: {  	v58 =	vor.u32 $0xB, v4;
	v1 =	vadd.f32 v3, v1  }
0xd9: {  	v3 =	vld.idx.msk [tilespmem:v55+s28+$0x0], $0xffff  }
0xda: {  	v59 =	vor.u32 $0xC, v4;
	v1 =	vadd.f32 v56, v1  }
0xdb: {  	v60 =	vld.idx.msk [tilespmem:v57+s28+$0x0], $0xffff  }
0xdc: {  	v61 =	vor.u32 $0xD, v4;
	v1 =	vadd.f32 v2, v1  }
0xdd: {  	v2 =	vld.idx.msk [tilespmem:v58+s28+$0x0], $0xffff  }
0xde: {  	v62 =	vor.u32 $0xE, v4;
	v1 =	vadd.f32 v3, v1  }
0xdf: {  	v3 =	vld.idx.msk [tilespmem:v59+s28+$0x0], $0xffff  }
0xe0: {  	v4 =	vor.u32 $0xF, v4;
	v1 =	vadd.f32 v60, v1  }
0xe1: {  	v63 =	vld.idx.msk [tilespmem:v61+s28+$0x0], $0xffff  }
0xe2: {  	v1 =	vadd.f32 v2, v1  }
0xe3: {  	v2 =	vld.idx.msk [tilespmem:v62+s28+$0x0], $0xffff  }
0xe4: {  	v1 =	vadd.f32 v3, v1  }
0xe5: {  	v3 =	vld.idx.msk [tilespmem:v4+s28+$0x0], $0xffff  }
0xe6: {  	v1 =	vadd.f32 v63, v1;
	_ =	sdelay $0x1  }
0xe7: {  	v1 =	vadd.f32 v2, v1;
	_ =	sdelay $0x1  }
0xe8: {  	s30 =	sadd.s32 $0x1, s30;
	v1 =	vadd.f32 v3, v1  }
0xe9: {  	p0 =	sne.s32 s30, s8;
	s0 =	sadd.s32 $0x10, s0  }
.Ltmp2:
0xea: {  	[tilespmem:s0+$0x0] =	vst v1;
	(pc) =	sbr.rel @p0 .LBB2_1-.Ltmp2, $4  }
0xeb: {  	[hbm4b:s7+s2] =	stream.linear.scatter [tilespmem:s29], [sflag:$0x3], $0x200, $0x38;
	[tilespmem:$0xA600] =	vst v63  }
0xec: {  	_ =	swait.ge [sflag:s9], $0x200  }
0xed: {  	[sflag:s9] =	ssyncset.done $0x0  }
0xee: {  	[sflag:s9] =	ssyncadd.s32 $0xFFFFFE00  }
0xef: {  	_ =	sfence.sel $0x180000  }
0xf0: {  	[bflag:$0x0] =	sbarrier.arrive $0xFFFF  }
0xf1: {  	_ =	strace $0x90000047  }
0xf2: {  	s0 =	stileid.u32;
	[bflag:$0x2] =	sbarrier.arrive $0xFFFF  }
0xf3: {  	p0 =	sne.s32 s0, $0x0;
	s0 =	rddreg [dreg:$0x4]  }
0xf4: {  	s0 =	sadd.s32 @!p0 $0x100000, s0  }
0xf5: {  	[sflag:s0] =	ssyncadd.tile.s32 @!p0 $0x1;
	_ =	shalt  }
.Lfunc_end2:
_tile_overlayer_lowered:
.L_overlay_start_2:
0xf6: {  	(tag) =	ssettag $0x2  }
0xf7: {  	s0 =	rddreg [dreg:$0x0];
	s2 =	stileid.u32  }
0xf8: {  	s1 =	rddreg [dreg:$0x1];
	p0 =	sne.s32 s2, $0x0  }
0xf9: {  	s3 =	rddreg [dreg:$0x2];
	[bflag:$0x3] =	sbarrier.arrive $0xFFFF;
	s2 =	simm.s32 @!p0 $0x1C03  }
0xfa: {  	[timem:s3], [sflag:s2] =	dma.local @!p0 [hbm:s0], s1  }
0xfb: {  	s0 =	simm.s32 @!p0 $0x3  }
0xfc: {  	_ =	swait.ge @!p0 [sflag:s0], s1  }
0xfd: {  	s1 =	ssub.s32 @!p0 $0x0, s1;
	[sflag:s0] =	ssyncset.done @!p0 $0x0  }
0xfe: {  	[sflag:s0] =	ssyncadd.s32 @!p0 s1  }
0xff: {  	[bflag:$0x3] =	sbarrier.arrive $0xFFFF  }
0x100: {  	_ =	shalt  }

</sc_bundles>
